<compile_context>
chip_gen: v7x
topology: tpu7x:2x2x1
jax: 0.10.2.dev20260603
libtpu: 0.0.44.dev20260713+nightly
codegen_flags: <defaults>
</compile_context>

<pallas_src>
import jax
import jax.numpy as jnp
import numpy as np
from jax import lax
from jax.experimental import pallas as pl
from jax.experimental.pallas import tpu as pltpu

P = 128
H = 64
ALPHA = 0.5
BB = 64

_TINY = np.float32(np.finfo(np.float32).tiny)
_K0 = 0
_K1 = 1234
_K2 = _K0 ^ _K1 ^ 0x1BD11BDA


def _rotl(x, d):
    return (x << jnp.uint32(d)) | (x >> jnp.uint32(32 - d))


def _threefry2x32(x1):
    ks = (jnp.uint32(_K0), jnp.uint32(_K1), jnp.uint32(_K2))
    rots = ((13, 15, 26, 6), (17, 29, 16, 24))
    x0 = jnp.zeros_like(x1) + ks[0]
    x1 = x1 + ks[1]
    for r in range(5):
        for rot in rots[r % 2]:
            x0 = x0 + x1
            x1 = _rotl(x1, rot)
            x1 = x0 ^ x1
        x0 = x0 + ks[(r + 1) % 3]
        x1 = x1 + ks[(r + 2) % 3] + jnp.uint32(r + 1)
    return x0 ^ x1


def _resample_kernel(pbt_ref, tprob_ref, table_ref, out_part_ref, out_prob_ref):
    j0 = pl.program_id(0)

    pbt = pbt_ref[...]
    rp = ALPHA * jnp.exp(pbt) + (1.0 - ALPHA) / P
    logits = jnp.log(rp)

    shp = (BB, P, P)
    b_i = lax.broadcasted_iota(jnp.int32, shp, 0) + j0 * BB
    c_i = lax.broadcasted_iota(jnp.int32, shp, 1)
    j_i = lax.broadcasted_iota(jnp.int32, shp, 2)
    cnt = (b_i * (P * P) + j_i * P + c_i).astype(jnp.uint32)
    bits = _threefry2x32(cnt)
    fbits = (bits >> jnp.uint32(9)) | jnp.uint32(0x3F800000)
    floats = lax.bitcast_convert_type(fbits, jnp.float32) - 1.0
    u = jnp.maximum(_TINY, floats + _TINY)
    score = -jnp.log(-jnp.log(u)) + logits[:, :, None]

    mx = jnp.max(score, axis=1, keepdims=True)
    cand = jnp.where(score == mx, c_i, P)
    idx = jnp.min(cand, axis=1)

    idx_t = idx.T
    c2 = lax.broadcasted_iota(jnp.int32, (P, BB, P), 2)
    oh = (idx_t[:, :, None] == c2).astype(jnp.float32).reshape(P * BB, P)

    gathered = jax.lax.dot_general(
        oh, table_ref[...],
        dimension_numbers=(((1,), (0,)), ((), ())),
        precision=jax.lax.Precision.HIGHEST,
        preferred_element_type=jnp.float32)
    out_part_ref[...] = gathered.reshape(P, BB, H)

    t = tprob_ref[...]
    et = jnp.exp(t)
    ft = jnp.log(et / (ALPHA * et + (1.0 - ALPHA) / P))
    pvals = jax.lax.dot_general(
        oh, ft,
        dimension_numbers=(((1,), (1,)), ((), ())),
        precision=jax.lax.Precision.HIGHEST,
        preferred_element_type=jnp.float32)
    pvals = pvals.reshape(P, BB).T
    m = jnp.max(pvals, axis=-1, keepdims=True)
    lse = jnp.log(jnp.sum(jnp.exp(pvals - m), axis=-1, keepdims=True)) + m
    out_prob_ref[...] = pvals - lse


@jax.jit
def kernel(particles, prob):
    B = prob.shape[0] // P
    prob2d = prob.reshape(P, B)
    pbt = prob2d.T
    tprob = prob.reshape(-1)[:P].reshape(1, P)
    table = particles[:P]

    grid = (B // BB,)
    out_part, out_prob_t = pl.pallas_call(
        _resample_kernel,
        grid=grid,
        in_specs=[
            pl.BlockSpec((BB, P), lambda j: (j, 0)),
            pl.BlockSpec((1, P), lambda j: (0, 0)),
            pl.BlockSpec((P, H), lambda j: (0, 0)),
        ],
        out_specs=[
            pl.BlockSpec((P, BB, H), lambda j: (0, j, 0)),
            pl.BlockSpec((BB, P), lambda j: (j, 0)),
        ],
        out_shape=[
            jax.ShapeDtypeStruct((P, B, H), jnp.float32),
            jax.ShapeDtypeStruct((B, P), jnp.float32),
        ],
        compiler_params=pltpu.CompilerParams(
            dimension_semantics=("parallel",)),
    )(pbt, tprob, table)

    return out_part.reshape(P * B, H), out_prob_t.T

# --- scband reference (transcript-rebuilt; emitter-appended) ---
"""Pipeline reference for scband-pfrnnbase-cell-20418274525680 (READ-ONLY COPY).

The authoritative reference and input builder live on the scoring server;
editing this copy changes nothing except your own understanding.
"""

import jax, jax.numpy as jnp
import numpy as np

NUM_PARTICLES = 128
BATCH = 4096
H_DIM = 64
RESAMP_ALPHA = 0.5


def setup_inputs(seed: int = 0) -> dict:
    key = jax.random.key(seed)
    k1, k2 = jax.random.split(key)
    particles = jax.random.normal(k1, (NUM_PARTICLES * BATCH, H_DIM), dtype=jnp.float32)
    prob = jax.random.normal(k2, (NUM_PARTICLES * BATCH, 1), dtype=jnp.float32)
    return {"particles": particles, "prob": prob}


def reference(particles, prob):
    # soft-resampling distribution: alpha * exp(log_w) + (1-alpha)/P
    resamp_prob = RESAMP_ALPHA * jnp.exp(prob) + (1.0 - RESAMP_ALPHA) / NUM_PARTICLES
    resamp_prob = resamp_prob.reshape(NUM_PARTICLES, -1)  # [P, B]
    logits = jnp.log(resamp_prob.T)  # [B, P]
    B = logits.shape[0]
    skey = jax.random.key(1234)
    # torch.multinomial(resamp_prob.T, num_samples=P, replacement=True) -> [B, P]
    indices = jax.random.categorical(skey, logits[:, None, :], axis=-1, shape=(B, NUM_PARTICLES))
    indices = indices.T  # [P, B]
    flatten_indices = indices.reshape(-1)  # [P*B]
    particles_new = particles[flatten_indices]
    prob_new = jnp.exp(prob.reshape(-1, 1)[flatten_indices])
    prob_new = prob_new / (RESAMP_ALPHA * prob_new + (1.0 - RESAMP_ALPHA) / NUM_PARTICLES)
    prob_new = jnp.log(prob_new).reshape(NUM_PARTICLES, -1)
    prob_new = prob_new - jax.nn.logsumexp(prob_new, axis=0, keepdims=True)
    return particles_new, prob_new

if __name__ == "__main__":
    import jax
    _d = setup_inputs()
    print(jax.jit(kernel)(*tuple(_d.values())))

</pallas_src>

<mosaic_0001>
module attributes {stable_mosaic.version = 14 : i64} {
  func.func @_resample_kernel(%arg0: i32, %arg1: memref<64x128xf32, #tpu.memory_space<vmem>>, %arg2: memref<1x128xf32, #tpu.memory_space<vmem>>, %arg3: memref<128x64xf32, #tpu.memory_space<vmem>>, %arg4: memref<128x64x64xf32, #tpu.memory_space<vmem>>, %arg5: memref<64x128xf32, #tpu.memory_space<vmem>>) attributes {dimension_semantics = [#tpu.dimension_semantics<parallel>], iteration_bounds = array<i64: 64>, scalar_prefetch = 0 : i64, scratch_operands = 0 : i64, tpu.core_type = #tpu.core_type<tc>, window_params = [{transform_indices = @transform_0, window_bounds = array<i64: 64, 128>}, {pipeline_mode = #tpu.pipeline_mode<synchronous>, transform_indices = @transform_1, window_bounds = array<i64: 1, 128>}, {pipeline_mode = #tpu.pipeline_mode<synchronous>, transform_indices = @transform_2, window_bounds = array<i64: 128, 64>}, {transform_indices = @transform_3, window_bounds = array<i64: 128, 64, 64>}, {transform_indices = @transform_4, window_bounds = array<i64: 64, 128>}]} {
    %get3A = arith.constant 0 : index
    %get3A_0 = arith.constant 0 : index
    %get3A_1 = vector.load %arg1[%get3A, %get3A_0] : memref<64x128xf32, #tpu.memory_space<vmem>>, vector<64x128xf32>
    %exp3A = math.exp %get3A_1 : vector<64x128xf32>
    %mul3A = arith.constant 5.000000e-01 : f32
    %mul3A_2 = vector.broadcast %mul3A : f32 to vector<64x128xf32>
    %mul3A_3 = arith.mulf %mul3A_2, %exp3A : vector<64x128xf32>
    %add3A = arith.constant 3.906250e-03 : f32
    %add3A_4 = vector.broadcast %add3A : f32 to vector<64x128xf32>
    %add3A_5 = arith.addf %mul3A_3, %add3A_4 : vector<64x128xf32>
    %log3A = math.log %add3A_5 : vector<64x128xf32>
    %iota3A = tpu.iota {dimensions = array<i32: 0>} : vector<64x128x128xi32>
    %mul3A_6 = arith.constant 64 : i32
    %mul3A_7 = arith.muli %arg0, %mul3A_6 : i32
    %add3A_8 = vector.broadcast %mul3A_7 : i32 to vector<64x128x128xi32>
    %add3A_9 = arith.addi %iota3A, %add3A_8 : vector<64x128x128xi32>
    %iota3A_10 = tpu.iota {dimensions = array<i32: 1>} : vector<64x128x128xi32>
    %iota3A_11 = tpu.iota {dimensions = array<i32: 2>} : vector<64x128x128xi32>
    %mul3A_12 = arith.constant 16384 : i32
    %mul3A_13 = vector.broadcast %mul3A_12 : i32 to vector<64x128x128xi32>
    %mul3A_14 = arith.muli %add3A_9, %mul3A_13 : vector<64x128x128xi32>
    %mul3A_15 = arith.constant 128 : i32
    %mul3A_16 = vector.broadcast %mul3A_15 : i32 to vector<64x128x128xi32>
    %mul3A_17 = arith.muli %iota3A_11, %mul3A_16 : vector<64x128x128xi32>
    %add3A_18 = arith.addi %mul3A_14, %mul3A_17 : vector<64x128x128xi32>
    %add3A_19 = arith.addi %add3A_18, %iota3A_10 : vector<64x128x128xi32>
    %broadcast_in_dim3A = arith.constant 0 : i32
    %broadcast_in_dim3A_20 = vector.broadcast %broadcast_in_dim3A : i32 to vector<64x128x128xi32>
    %add3A_21 = arith.constant 0 : i32
    %add3A_22 = vector.broadcast %add3A_21 : i32 to vector<64x128x128xi32>
    %add3A_23 = arith.addi %broadcast_in_dim3A_20, %add3A_22 : vector<64x128x128xi32>
    %add3A_24 = arith.constant 1234 : i32
    %add3A_25 = vector.broadcast %add3A_24 : i32 to vector<64x128x128xi32>
    %add3A_26 = arith.addi %add3A_19, %add3A_25 : vector<64x128x128xi32>
    %add3A_27 = arith.addi %add3A_23, %add3A_26 : vector<64x128x128xi32>
    %shift_left3A = arith.constant 13 : i32
    %shift_left3A_28 = vector.broadcast %shift_left3A : i32 to vector<64x128x128xi32>
    %shift_left3A_29 = arith.shli %add3A_26, %shift_left3A_28 : vector<64x128x128xi32>
    %shift_right_logical3A = arith.constant 19 : i32
    %shift_right_logical3A_30 = vector.broadcast %shift_right_logical3A : i32 to vector<64x128x128xi32>
    %shift_right_logical3A_31 = arith.shrui %add3A_26, %shift_right_logical3A_30 : vector<64x128x128xi32>
    %or3A = arith.ori %shift_left3A_29, %shift_right_logical3A_31 : vector<64x128x128xi32>
    %xor3A = arith.xori %add3A_27, %or3A : vector<64x128x128xi32>
    %add3A_32 = arith.addi %add3A_27, %xor3A : vector<64x128x128xi32>
    %shift_left3A_33 = arith.constant 15 : i32
    %shift_left3A_34 = vector.broadcast %shift_left3A_33 : i32 to vector<64x128x128xi32>
    %shift_left3A_35 = arith.shli %xor3A, %shift_left3A_34 : vector<64x128x128xi32>
    %shift_right_logical3A_36 = arith.constant 17 : i32
    %shift_right_logical3A_37 = vector.broadcast %shift_right_logical3A_36 : i32 to vector<64x128x128xi32>
    %shift_right_logical3A_38 = arith.shrui %xor3A, %shift_right_logical3A_37 : vector<64x128x128xi32>
    %or3A_39 = arith.ori %shift_left3A_35, %shift_right_logical3A_38 : vector<64x128x128xi32>
    %xor3A_40 = arith.xori %add3A_32, %or3A_39 : vector<64x128x128xi32>
    %add3A_41 = arith.addi %add3A_32, %xor3A_40 : vector<64x128x128xi32>
    %shift_left3A_42 = arith.constant 26 : i32
    %shift_left3A_43 = vector.broadcast %shift_left3A_42 : i32 to vector<64x128x128xi32>
    %shift_left3A_44 = arith.shli %xor3A_40, %shift_left3A_43 : vector<64x128x128xi32>
    %shift_right_logical3A_45 = arith.constant 6 : i32
    %shift_right_logical3A_46 = vector.broadcast %shift_right_logical3A_45 : i32 to vector<64x128x128xi32>
    %shift_right_logical3A_47 = arith.shrui %xor3A_40, %shift_right_logical3A_46 : vector<64x128x128xi32>
    %or3A_48 = arith.ori %shift_left3A_44, %shift_right_logical3A_47 : vector<64x128x128xi32>
    %xor3A_49 = arith.xori %add3A_41, %or3A_48 : vector<64x128x128xi32>
    %add3A_50 = arith.addi %add3A_41, %xor3A_49 : vector<64x128x128xi32>
    %shift_left3A_51 = arith.constant 6 : i32
    %shift_left3A_52 = vector.broadcast %shift_left3A_51 : i32 to vector<64x128x128xi32>
    %shift_left3A_53 = arith.shli %xor3A_49, %shift_left3A_52 : vector<64x128x128xi32>
    %shift_right_logical3A_54 = arith.constant 26 : i32
    %shift_right_logical3A_55 = vector.broadcast %shift_right_logical3A_54 : i32 to vector<64x128x128xi32>
    %shift_right_logical3A_56 = arith.shrui %xor3A_49, %shift_right_logical3A_55 : vector<64x128x128xi32>
    %or3A_57 = arith.ori %shift_left3A_53, %shift_right_logical3A_56 : vector<64x128x128xi32>
    %xor3A_58 = arith.xori %add3A_50, %or3A_57 : vector<64x128x128xi32>
    %add3A_59 = arith.constant 1234 : i32
    %add3A_60 = vector.broadcast %add3A_59 : i32 to vector<64x128x128xi32>
    %add3A_61 = arith.addi %add3A_50, %add3A_60 : vector<64x128x128xi32>
    %add3A_62 = arith.constant 466689800 : i32
    %add3A_63 = vector.broadcast %add3A_62 : i32 to vector<64x128x128xi32>
    %add3A_64 = arith.addi %xor3A_58, %add3A_63 : vector<64x128x128xi32>
    %add3A_65 = arith.constant 1 : i32
    %add3A_66 = vector.broadcast %add3A_65 : i32 to vector<64x128x128xi32>
    %add3A_67 = arith.addi %add3A_64, %add3A_66 : vector<64x128x128xi32>
    %add3A_68 = arith.addi %add3A_61, %add3A_67 : vector<64x128x128xi32>
    %shift_left3A_69 = arith.constant 17 : i32
    %shift_left3A_70 = vector.broadcast %shift_left3A_69 : i32 to vector<64x128x128xi32>
    %shift_left3A_71 = arith.shli %add3A_67, %shift_left3A_70 : vector<64x128x128xi32>
    %shift_right_logical3A_72 = arith.constant 15 : i32
    %shift_right_logical3A_73 = vector.broadcast %shift_right_logical3A_72 : i32 to vector<64x128x128xi32>
    %shift_right_logical3A_74 = arith.shrui %add3A_67, %shift_right_logical3A_73 : vector<64x128x128xi32>
    %or3A_75 = arith.ori %shift_left3A_71, %shift_right_logical3A_74 : vector<64x128x128xi32>
    %xor3A_76 = arith.xori %add3A_68, %or3A_75 : vector<64x128x128xi32>
    %add3A_77 = arith.addi %add3A_68, %xor3A_76 : vector<64x128x128xi32>
    %shift_left3A_78 = arith.constant 29 : i32
    %shift_left3A_79 = vector.broadcast %shift_left3A_78 : i32 to vector<64x128x128xi32>
    %shift_left3A_80 = arith.shli %xor3A_76, %shift_left3A_79 : vector<64x128x128xi32>
    %shift_right_logical3A_81 = arith.constant 3 : i32
    %shift_right_logical3A_82 = vector.broadcast %shift_right_logical3A_81 : i32 to vector<64x128x128xi32>
    %shift_right_logical3A_83 = arith.shrui %xor3A_76, %shift_right_logical3A_82 : vector<64x128x128xi32>
    %or3A_84 = arith.ori %shift_left3A_80, %shift_right_logical3A_83 : vector<64x128x128xi32>
    %xor3A_85 = arith.xori %add3A_77, %or3A_84 : vector<64x128x128xi32>
    %add3A_86 = arith.addi %add3A_77, %xor3A_85 : vector<64x128x128xi32>
    %shift_left3A_87 = arith.constant 16 : i32
    %shift_left3A_88 = vector.broadcast %shift_left3A_87 : i32 to vector<64x128x128xi32>
    %shift_left3A_89 = arith.shli %xor3A_85, %shift_left3A_88 : vector<64x128x128xi32>
    %shift_right_logical3A_90 = arith.constant 16 : i32
    %shift_right_logical3A_91 = vector.broadcast %shift_right_logical3A_90 : i32 to vector<64x128x128xi32>
    %shift_right_logical3A_92 = arith.shrui %xor3A_85, %shift_right_logical3A_91 : vector<64x128x128xi32>
    %or3A_93 = arith.ori %shift_left3A_89, %shift_right_logical3A_92 : vector<64x128x128xi32>
    %xor3A_94 = arith.xori %add3A_86, %or3A_93 : vector<64x128x128xi32>
    %add3A_95 = arith.addi %add3A_86, %xor3A_94 : vector<64x128x128xi32>
    %shift_left3A_96 = arith.constant 24 : i32
    %shift_left3A_97 = vector.broadcast %shift_left3A_96 : i32 to vector<64x128x128xi32>
    %shift_left3A_98 = arith.shli %xor3A_94, %shift_left3A_97 : vector<64x128x128xi32>
    %shift_right_logical3A_99 = arith.constant 8 : i32
    %shift_right_logical3A_100 = vector.broadcast %shift_right_logical3A_99 : i32 to vector<64x128x128xi32>
    %shift_right_logical3A_101 = arith.shrui %xor3A_94, %shift_right_logical3A_100 : vector<64x128x128xi32>
    %or3A_102 = arith.ori %shift_left3A_98, %shift_right_logical3A_101 : vector<64x128x128xi32>
    %xor3A_103 = arith.xori %add3A_95, %or3A_102 : vector<64x128x128xi32>
    %add3A_104 = arith.constant 466689800 : i32
    %add3A_105 = vector.broadcast %add3A_104 : i32 to vector<64x128x128xi32>
    %add3A_106 = arith.addi %add3A_95, %add3A_105 : vector<64x128x128xi32>
    %add3A_107 = arith.constant 0 : i32
    %add3A_108 = vector.broadcast %add3A_107 : i32 to vector<64x128x128xi32>
    %add3A_109 = arith.addi %xor3A_103, %add3A_108 : vector<64x128x128xi32>
    %add3A_110 = arith.constant 2 : i32
    %add3A_111 = vector.broadcast %add3A_110 : i32 to vector<64x128x128xi32>
    %add3A_112 = arith.addi %add3A_109, %add3A_111 : vector<64x128x128xi32>
    %add3A_113 = arith.addi %add3A_106, %add3A_112 : vector<64x128x128xi32>
    %shift_left3A_114 = arith.constant 13 : i32
    %shift_left3A_115 = vector.broadcast %shift_left3A_114 : i32 to vector<64x128x128xi32>
    %shift_left3A_116 = arith.shli %add3A_112, %shift_left3A_115 : vector<64x128x128xi32>
    %shift_right_logical3A_117 = arith.constant 19 : i32
    %shift_right_logical3A_118 = vector.broadcast %shift_right_logical3A_117 : i32 to vector<64x128x128xi32>
    %shift_right_logical3A_119 = arith.shrui %add3A_112, %shift_right_logical3A_118 : vector<64x128x128xi32>
    %or3A_120 = arith.ori %shift_left3A_116, %shift_right_logical3A_119 : vector<64x128x128xi32>
    %xor3A_121 = arith.xori %add3A_113, %or3A_120 : vector<64x128x128xi32>
    %add3A_122 = arith.addi %add3A_113, %xor3A_121 : vector<64x128x128xi32>
    %shift_left3A_123 = arith.constant 15 : i32
    %shift_left3A_124 = vector.broadcast %shift_left3A_123 : i32 to vector<64x128x128xi32>
    %shift_left3A_125 = arith.shli %xor3A_121, %shift_left3A_124 : vector<64x128x128xi32>
    %shift_right_logical3A_126 = arith.constant 17 : i32
    %shift_right_logical3A_127 = vector.broadcast %shift_right_logical3A_126 : i32 to vector<64x128x128xi32>
    %shift_right_logical3A_128 = arith.shrui %xor3A_121, %shift_right_logical3A_127 : vector<64x128x128xi32>
    %or3A_129 = arith.ori %shift_left3A_125, %shift_right_logical3A_128 : vector<64x128x128xi32>
    %xor3A_130 = arith.xori %add3A_122, %or3A_129 : vector<64x128x128xi32>
    %add3A_131 = arith.addi %add3A_122, %xor3A_130 : vector<64x128x128xi32>
    %shift_left3A_132 = arith.constant 26 : i32
    %shift_left3A_133 = vector.broadcast %shift_left3A_132 : i32 to vector<64x128x128xi32>
    %shift_left3A_134 = arith.shli %xor3A_130, %shift_left3A_133 : vector<64x128x128xi32>
    %shift_right_logical3A_135 = arith.constant 6 : i32
    %shift_right_logical3A_136 = vector.broadcast %shift_right_logical3A_135 : i32 to vector<64x128x128xi32>
    %shift_right_logical3A_137 = arith.shrui %xor3A_130, %shift_right_logical3A_136 : vector<64x128x128xi32>
    %or3A_138 = arith.ori %shift_left3A_134, %shift_right_logical3A_137 : vector<64x128x128xi32>
    %xor3A_139 = arith.xori %add3A_131, %or3A_138 : vector<64x128x128xi32>
    %add3A_140 = arith.addi %add3A_131, %xor3A_139 : vector<64x128x128xi32>
    %shift_left3A_141 = arith.constant 6 : i32
    %shift_left3A_142 = vector.broadcast %shift_left3A_141 : i32 to vector<64x128x128xi32>
    %shift_left3A_143 = arith.shli %xor3A_139, %shift_left3A_142 : vector<64x128x128xi32>
    %shift_right_logical3A_144 = arith.constant 26 : i32
    %shift_right_logical3A_145 = vector.broadcast %shift_right_logical3A_144 : i32 to vector<64x128x128xi32>
    %shift_right_logical3A_146 = arith.shrui %xor3A_139, %shift_right_logical3A_145 : vector<64x128x128xi32>
    %or3A_147 = arith.ori %shift_left3A_143, %shift_right_logical3A_146 : vector<64x128x128xi32>
    %xor3A_148 = arith.xori %add3A_140, %or3A_147 : vector<64x128x128xi32>
    %add3A_149 = arith.constant 0 : i32
    %add3A_150 = vector.broadcast %add3A_149 : i32 to vector<64x128x128xi32>
    %add3A_151 = arith.addi %add3A_140, %add3A_150 : vector<64x128x128xi32>
    %add3A_152 = arith.constant 1234 : i32
    %add3A_153 = vector.broadcast %add3A_152 : i32 to vector<64x128x128xi32>
    %add3A_154 = arith.addi %xor3A_148, %add3A_153 : vector<64x128x128xi32>
    %add3A_155 = arith.constant 3 : i32
    %add3A_156 = vector.broadcast %add3A_155 : i32 to vector<64x128x128xi32>
    %add3A_157 = arith.addi %add3A_154, %add3A_156 : vector<64x128x128xi32>
    %add3A_158 = arith.addi %add3A_151, %add3A_157 : vector<64x128x128xi32>
    %shift_left3A_159 = arith.constant 17 : i32
    %shift_left3A_160 = vector.broadcast %shift_left3A_159 : i32 to vector<64x128x128xi32>
    %shift_left3A_161 = arith.shli %add3A_157, %shift_left3A_160 : vector<64x128x128xi32>
    %shift_right_logical3A_162 = arith.constant 15 : i32
    %shift_right_logical3A_163 = vector.broadcast %shift_right_logical3A_162 : i32 to vector<64x128x128xi32>
    %shift_right_logical3A_164 = arith.shrui %add3A_157, %shift_right_logical3A_163 : vector<64x128x128xi32>
    %or3A_165 = arith.ori %shift_left3A_161, %shift_right_logical3A_164 : vector<64x128x128xi32>
    %xor3A_166 = arith.xori %add3A_158, %or3A_165 : vector<64x128x128xi32>
    %add3A_167 = arith.addi %add3A_158, %xor3A_166 : vector<64x128x128xi32>
    %shift_left3A_168 = arith.constant 29 : i32
    %shift_left3A_169 = vector.broadcast %shift_left3A_168 : i32 to vector<64x128x128xi32>
    %shift_left3A_170 = arith.shli %xor3A_166, %shift_left3A_169 : vector<64x128x128xi32>
    %shift_right_logical3A_171 = arith.constant 3 : i32
    %shift_right_logical3A_172 = vector.broadcast %shift_right_logical3A_171 : i32 to vector<64x128x128xi32>
    %shift_right_logical3A_173 = arith.shrui %xor3A_166, %shift_right_logical3A_172 : vector<64x128x128xi32>
    %or3A_174 = arith.ori %shift_left3A_170, %shift_right_logical3A_173 : vector<64x128x128xi32>
    %xor3A_175 = arith.xori %add3A_167, %or3A_174 : vector<64x128x128xi32>
    %add3A_176 = arith.addi %add3A_167, %xor3A_175 : vector<64x128x128xi32>
    %shift_left3A_177 = arith.constant 16 : i32
    %shift_left3A_178 = vector.broadcast %shift_left3A_177 : i32 to vector<64x128x128xi32>
    %shift_left3A_179 = arith.shli %xor3A_175, %shift_left3A_178 : vector<64x128x128xi32>
    %shift_right_logical3A_180 = arith.constant 16 : i32
    %shift_right_logical3A_181 = vector.broadcast %shift_right_logical3A_180 : i32 to vector<64x128x128xi32>
    %shift_right_logical3A_182 = arith.shrui %xor3A_175, %shift_right_logical3A_181 : vector<64x128x128xi32>
    %or3A_183 = arith.ori %shift_left3A_179, %shift_right_logical3A_182 : vector<64x128x128xi32>
    %xor3A_184 = arith.xori %add3A_176, %or3A_183 : vector<64x128x128xi32>
    %add3A_185 = arith.addi %add3A_176, %xor3A_184 : vector<64x128x128xi32>
    %shift_left3A_186 = arith.constant 24 : i32
    %shift_left3A_187 = vector.broadcast %shift_left3A_186 : i32 to vector<64x128x128xi32>
    %shift_left3A_188 = arith.shli %xor3A_184, %shift_left3A_187 : vector<64x128x128xi32>
    %shift_right_logical3A_189 = arith.constant 8 : i32
    %shift_right_logical3A_190 = vector.broadcast %shift_right_logical3A_189 : i32 to vector<64x128x128xi32>
    %shift_right_logical3A_191 = arith.shrui %xor3A_184, %shift_right_logical3A_190 : vector<64x128x128xi32>
    %or3A_192 = arith.ori %shift_left3A_188, %shift_right_logical3A_191 : vector<64x128x128xi32>
    %xor3A_193 = arith.xori %add3A_185, %or3A_192 : vector<64x128x128xi32>
    %add3A_194 = arith.constant 1234 : i32
    %add3A_195 = vector.broadcast %add3A_194 : i32 to vector<64x128x128xi32>
    %add3A_196 = arith.addi %add3A_185, %add3A_195 : vector<64x128x128xi32>
    %add3A_197 = arith.constant 466689800 : i32
    %add3A_198 = vector.broadcast %add3A_197 : i32 to vector<64x128x128xi32>
    %add3A_199 = arith.addi %xor3A_193, %add3A_198 : vector<64x128x128xi32>
    %add3A_200 = arith.constant 4 : i32
    %add3A_201 = vector.broadcast %add3A_200 : i32 to vector<64x128x128xi32>
    %add3A_202 = arith.addi %add3A_199, %add3A_201 : vector<64x128x128xi32>
    %add3A_203 = arith.addi %add3A_196, %add3A_202 : vector<64x128x128xi32>
    %shift_left3A_204 = arith.constant 13 : i32
    %shift_left3A_205 = vector.broadcast %shift_left3A_204 : i32 to vector<64x128x128xi32>
    %shift_left3A_206 = arith.shli %add3A_202, %shift_left3A_205 : vector<64x128x128xi32>
    %shift_right_logical3A_207 = arith.constant 19 : i32
    %shift_right_logical3A_208 = vector.broadcast %shift_right_logical3A_207 : i32 to vector<64x128x128xi32>
    %shift_right_logical3A_209 = arith.shrui %add3A_202, %shift_right_logical3A_208 : vector<64x128x128xi32>
    %or3A_210 = arith.ori %shift_left3A_206, %shift_right_logical3A_209 : vector<64x128x128xi32>
    %xor3A_211 = arith.xori %add3A_203, %or3A_210 : vector<64x128x128xi32>
    %add3A_212 = arith.addi %add3A_203, %xor3A_211 : vector<64x128x128xi32>
    %shift_left3A_213 = arith.constant 15 : i32
    %shift_left3A_214 = vector.broadcast %shift_left3A_213 : i32 to vector<64x128x128xi32>
    %shift_left3A_215 = arith.shli %xor3A_211, %shift_left3A_214 : vector<64x128x128xi32>
    %shift_right_logical3A_216 = arith.constant 17 : i32
    %shift_right_logical3A_217 = vector.broadcast %shift_right_logical3A_216 : i32 to vector<64x128x128xi32>
    %shift_right_logical3A_218 = arith.shrui %xor3A_211, %shift_right_logical3A_217 : vector<64x128x128xi32>
    %or3A_219 = arith.ori %shift_left3A_215, %shift_right_logical3A_218 : vector<64x128x128xi32>
    %xor3A_220 = arith.xori %add3A_212, %or3A_219 : vector<64x128x128xi32>
    %add3A_221 = arith.addi %add3A_212, %xor3A_220 : vector<64x128x128xi32>
    %shift_left3A_222 = arith.constant 26 : i32
    %shift_left3A_223 = vector.broadcast %shift_left3A_222 : i32 to vector<64x128x128xi32>
    %shift_left3A_224 = arith.shli %xor3A_220, %shift_left3A_223 : vector<64x128x128xi32>
    %shift_right_logical3A_225 = arith.constant 6 : i32
    %shift_right_logical3A_226 = vector.broadcast %shift_right_logical3A_225 : i32 to vector<64x128x128xi32>
    %shift_right_logical3A_227 = arith.shrui %xor3A_220, %shift_right_logical3A_226 : vector<64x128x128xi32>
    %or3A_228 = arith.ori %shift_left3A_224, %shift_right_logical3A_227 : vector<64x128x128xi32>
    %xor3A_229 = arith.xori %add3A_221, %or3A_228 : vector<64x128x128xi32>
    %add3A_230 = arith.addi %add3A_221, %xor3A_229 : vector<64x128x128xi32>
    %shift_left3A_231 = arith.constant 6 : i32
    %shift_left3A_232 = vector.broadcast %shift_left3A_231 : i32 to vector<64x128x128xi32>
    %shift_left3A_233 = arith.shli %xor3A_229, %shift_left3A_232 : vector<64x128x128xi32>
    %shift_right_logical3A_234 = arith.constant 26 : i32
    %shift_right_logical3A_235 = vector.broadcast %shift_right_logical3A_234 : i32 to vector<64x128x128xi32>
    %shift_right_logical3A_236 = arith.shrui %xor3A_229, %shift_right_logical3A_235 : vector<64x128x128xi32>
    %or3A_237 = arith.ori %shift_left3A_233, %shift_right_logical3A_236 : vector<64x128x128xi32>
    %xor3A_238 = arith.xori %add3A_230, %or3A_237 : vector<64x128x128xi32>
    %add3A_239 = arith.constant 466689800 : i32
    %add3A_240 = vector.broadcast %add3A_239 : i32 to vector<64x128x128xi32>
    %add3A_241 = arith.addi %add3A_230, %add3A_240 : vector<64x128x128xi32>
    %add3A_242 = arith.constant 0 : i32
    %add3A_243 = vector.broadcast %add3A_242 : i32 to vector<64x128x128xi32>
    %add3A_244 = arith.addi %xor3A_238, %add3A_243 : vector<64x128x128xi32>
    %add3A_245 = arith.constant 5 : i32
    %add3A_246 = vector.broadcast %add3A_245 : i32 to vector<64x128x128xi32>
    %add3A_247 = arith.addi %add3A_244, %add3A_246 : vector<64x128x128xi32>
    %xor3A_248 = arith.xori %add3A_241, %add3A_247 : vector<64x128x128xi32>
    %shift_right_logical3A_249 = arith.constant 9 : i32
    %shift_right_logical3A_250 = vector.broadcast %shift_right_logical3A_249 : i32 to vector<64x128x128xi32>
    %shift_right_logical3A_251 = arith.shrui %xor3A_248, %shift_right_logical3A_250 : vector<64x128x128xi32>
    %or3A_252 = arith.constant 1065353216 : i32
    %or3A_253 = vector.broadcast %or3A_252 : i32 to vector<64x128x128xi32>
    %or3A_254 = arith.ori %shift_right_logical3A_251, %or3A_253 : vector<64x128x128xi32>
    %bitcast_convert_type3A = tpu.bitcast %or3A_254 : vector<64x128x128xi32> -> vector<64x128x128xf32>
    %sub3A = arith.constant 1.000000e+00 : f32
    %sub3A_255 = vector.broadcast %sub3A : f32 to vector<64x128x128xf32>
    %sub3A_256 = arith.subf %bitcast_convert_type3A, %sub3A_255 : vector<64x128x128xf32>
    %add3A_257 = arith.constant 1.17549435E-38 : f32
    %add3A_258 = vector.broadcast %add3A_257 : f32 to vector<64x128x128xf32>
    %add3A_259 = arith.addf %sub3A_256, %add3A_258 : vector<64x128x128xf32>
    %max3A = arith.constant 1.17549435E-38 : f32
    %max3A_260 = vector.broadcast %max3A : f32 to vector<64x128x128xf32>
    %max3A_261 = arith.maximumf %max3A_260, %add3A_259 : vector<64x128x128xf32>
    %log3A_262 = math.log %max3A_261 : vector<64x128x128xf32>
    %neg3A = arith.constant 0.000000e+00 : f32
    %neg3A_263 = vector.broadcast %neg3A : f32 to vector<64x128x128xf32>
    %neg3A_264 = arith.subf %neg3A_263, %log3A_262 : vector<64x128x128xf32>
    %log3A_265 = math.log %neg3A_264 : vector<64x128x128xf32>
    %neg3A_266 = arith.constant 0.000000e+00 : f32
    %neg3A_267 = vector.broadcast %neg3A_266 : f32 to vector<64x128x128xf32>
    %neg3A_268 = arith.subf %neg3A_267, %log3A_265 : vector<64x128x128xf32>
    %broadcast_in_dim3A_269 = vector.shape_cast %log3A : vector<64x128xf32> to vector<64x128x1xf32>
    %add3A_270 = vector.broadcast %broadcast_in_dim3A_269 : vector<64x128x1xf32> to vector<64x128x128xf32>
    %add3A_271 = arith.addf %neg3A_268, %add3A_270 : vector<64x128x128xf32>
    %reduce_max3A = arith.constant dense<0xFF800000> : vector<64x128xf32>
    %reduce_max3A_272 = vector.multi_reduction <maximumf>, %add3A_271, %reduce_max3A [1] : vector<64x128x128xf32> to vector<64x128xf32>
    %broadcast_in_dim3A_273 = vector.shape_cast %reduce_max3A_272 : vector<64x128xf32> to vector<64x1x128xf32>
    %eq3A = vector.broadcast %broadcast_in_dim3A_273 : vector<64x1x128xf32> to vector<64x128x128xf32>
    %eq3A_274 = arith.cmpf oeq, %add3A_271, %eq3A : vector<64x128x128xf32>
    %jit3A = arith.constant 128 : i32
    %broadcast_in_dim3A_275 = vector.broadcast %jit3A : i32 to vector<64x128x128xi32>
    %select_n3A = arith.select %eq3A_274, %iota3A_10, %broadcast_in_dim3A_275 : vector<64x128x128xi1>, vector<64x128x128xi32>
    %reduce_min3A = arith.constant dense<2147483647> : vector<64x128xi32>
    %reduce_min3A_276 = vector.multi_reduction <minsi>, %select_n3A, %reduce_min3A [1] : vector<64x128x128xi32> to vector<64x128xi32>
    %transpose3A = tpu.transpose %reduce_min3A_276, [1, 0] : vector<64x128xi32> -> vector<128x64xi32>
    %iota3A_277 = tpu.iota {dimensions = array<i32: 2>} : vector<128x64x128xi32>
    %broadcast_in_dim3A_278 = vector.shape_cast %transpose3A : vector<128x64xi32> to vector<128x64x1xi32>
    %eq3A_279 = vector.broadcast %broadcast_in_dim3A_278 : vector<128x64x1xi32> to vector<128x64x128xi32>
    %eq3A_280 = arith.cmpi eq, %eq3A_279, %iota3A_277 : vector<128x64x128xi32>
    %convert_element_type3A = arith.extui %eq3A_280 : vector<128x64x128xi1> to vector<128x64x128xi32>
    %convert_element_type3A_281 = arith.sitofp %convert_element_type3A : vector<128x64x128xi32> to vector<128x64x128xf32>
    %reshape3A = vector.shape_cast %convert_element_type3A_281 : vector<128x64x128xf32> to vector<8192x128xf32>
    %get3A_282 = arith.constant 0 : index
    %get3A_283 = arith.constant 0 : index
    %get3A_284 = vector.load %arg3[%get3A_282, %get3A_283] : memref<128x64xf32, #tpu.memory_space<vmem>>, vector<128x64xf32>
    %dot_general3A = arith.constant dense<0.000000e+00> : vector<8192x64xf32>
    %dot_general3A_285 = tpu.matmul %reshape3A, %get3A_284, %dot_general3A {dimension_numbers = #tpu.dot_dimension_numbers<[1], [0], [0], [1], [0, 0, 1, 1], [], []>, precision = #tpu.contract_precision<fp32>, transpose_lhs_hint = false} : vector<8192x128xf32>, vector<128x64xf32>, vector<8192x64xf32> -> vector<8192x64xf32>
    %reshape3A_286 = vector.shape_cast %dot_general3A_285 : vector<8192x64xf32> to vector<128x64x64xf32>
    %swap3A = arith.constant 0 : index
    %swap3A_287 = arith.constant 0 : index
    %swap3A_288 = arith.constant 0 : index
    %swap3A_289 = vector.load %arg4[%swap3A, %swap3A_287, %swap3A_288] : memref<128x64x64xf32, #tpu.memory_space<vmem>>, vector<128x64x64xf32>
    tpu.vector_store %arg4[%swap3A, %swap3A_287, %swap3A_288], %reshape3A_286 {strides = array<i32>} : memref<128x64x64xf32, #tpu.memory_space<vmem>>, vector<128x64x64xf32>,
    %get3A_290 = arith.constant 0 : index
    %get3A_291 = arith.constant 0 : index
    %get3A_292 = vector.load %arg2[%get3A_290, %get3A_291] : memref<1x128xf32, #tpu.memory_space<vmem>>, vector<1x128xf32>
    %exp3A_293 = math.exp %get3A_292 : vector<1x128xf32>
    %mul3A_294 = arith.constant 5.000000e-01 : f32
    %mul3A_295 = vector.broadcast %mul3A_294 : f32 to vector<1x128xf32>
    %mul3A_296 = arith.mulf %mul3A_295, %exp3A_293 : vector<1x128xf32>
    %add3A_297 = arith.constant 3.906250e-03 : f32
    %add3A_298 = vector.broadcast %add3A_297 : f32 to vector<1x128xf32>
    %add3A_299 = arith.addf %mul3A_296, %add3A_298 : vector<1x128xf32>
    %div3A = arith.divf %exp3A_293, %add3A_299 : vector<1x128xf32>
    %log3A_300 = math.log %div3A : vector<1x128xf32>
    %dot_general3A_301 = arith.constant dense<0.000000e+00> : vector<8192x1xf32>
    %dot_general3A_302 = tpu.matmul %reshape3A, %log3A_300, %dot_general3A_301 {dimension_numbers = #tpu.dot_dimension_numbers<[1], [1], [0], [0], [0, 0, 1, 0], [], []>, precision = #tpu.contract_precision<fp32>, transpose_lhs_hint = false} : vector<8192x128xf32>, vector<1x128xf32>, vector<8192x1xf32> -> vector<8192x1xf32>
    %reshape3A_303 = vector.shape_cast %dot_general3A_302 : vector<8192x1xf32> to vector<128x64xf32>
    %transpose3A_304 = tpu.transpose %reshape3A_303, [1, 0] : vector<128x64xf32> -> vector<64x128xf32>
    %reduce_max3A_305 = arith.constant dense<0xFF800000> : vector<64xf32>
    %reduce_max3A_306 = vector.multi_reduction <maximumf>, %transpose3A_304, %reduce_max3A_305 [1] : vector<64x128xf32> to vector<64xf32>
    %broadcast_in_dim3A_307 = vector.shape_cast %reduce_max3A_306 : vector<64xf32> to vector<64x1xf32>
    %sub3A_308 = vector.broadcast %broadcast_in_dim3A_307 : vector<64x1xf32> to vector<64x128xf32>
    %sub3A_309 = arith.subf %transpose3A_304, %sub3A_308 : vector<64x128xf32>
    %exp3A_310 = math.exp %sub3A_309 : vector<64x128xf32>
    %reduce_sum3A = arith.constant dense<0.000000e+00> : vector<64xf32>
    %reduce_sum3A_311 = vector.multi_reduction <add>, %exp3A_310, %reduce_sum3A [1] : vector<64x128xf32> to vector<64xf32>
    %broadcast_in_dim3A_312 = vector.shape_cast %reduce_sum3A_311 : vector<64xf32> to vector<64x1xf32>
    %log3A_313 = math.log %broadcast_in_dim3A_312 : vector<64x1xf32>
    %add3A_314 = arith.addf %log3A_313, %broadcast_in_dim3A_307 : vector<64x1xf32>
    %sub3A_315 = vector.broadcast %add3A_314 : vector<64x1xf32> to vector<64x128xf32>
    %sub3A_316 = arith.subf %transpose3A_304, %sub3A_315 : vector<64x128xf32>
    %swap3A_317 = arith.constant 0 : index
    %swap3A_318 = arith.constant 0 : index
    %swap3A_319 = vector.load %arg5[%swap3A_317, %swap3A_318] : memref<64x128xf32, #tpu.memory_space<vmem>>, vector<64x128xf32>
    tpu.vector_store %arg5[%swap3A_317, %swap3A_318], %sub3A_316 {strides = array<i32>} : memref<64x128xf32, #tpu.memory_space<vmem>>, vector<64x128xf32>,
    return
  }
  func.func @transform_0(%arg0: i32) -> (i32, i32) {
    %c0_i32 = arith.constant 0 : i32
    %c0_i32_0 = arith.constant 0 : i32
    return %arg0, %c0_i32 : i32, i32
  }
  func.func @transform_1(%arg0: i32) -> (i32, i32) {
    %c0_i32 = arith.constant 0 : i32
    %c0_i32_0 = arith.constant 0 : i32
    %c0_i32_1 = arith.constant 0 : i32
    return %c0_i32, %c0_i32_0 : i32, i32
  }
  func.func @transform_2(%arg0: i32) -> (i32, i32) {
    %c0_i32 = arith.constant 0 : i32
    %c0_i32_0 = arith.constant 0 : i32
    %c0_i32_1 = arith.constant 0 : i32
    return %c0_i32, %c0_i32_0 : i32, i32
  }
  func.func @transform_3(%arg0: i32) -> (i32, i32, i32) {
    %c0_i32 = arith.constant 0 : i32
    %c0_i32_0 = arith.constant 0 : i32
    %c0_i32_1 = arith.constant 0 : i32
    return %c0_i32, %arg0, %c0_i32_0 : i32, i32, i32
  }
  func.func @transform_4(%arg0: i32) -> (i32, i32) {
    %c0_i32 = arith.constant 0 : i32
    %c0_i32_0 = arith.constant 0 : i32
    return %arg0, %c0_i32 : i32, i32
  }
}

</mosaic_0001>

<sc_bundles>
// kernel: sparse-core-data-format-call.cloned.1.call-start
scs
called_computation_lowered:
.L_overlay_start_0:
0x0: {  	s2 =	sld [smem:$0x3FD9]  }
0x1: {  	s3 =	sld [smem:$0x3FFE];
	_ =	sdelay $0x1  }
0x2: {  	s1 =	srdreg.scid  }
0x3: {  	s0 =	sand.u32 $0x1, s1  }
0x4: {  	s15 =	sshll.u32 s0, $0xA;
	s2 =	sadd.s32 s3, s2  }
0x5: {  	s2 =	sadd.s32 s2, s15  }
0x6: {  	[smem:$0x3FC6] =	sst s2  }
0x7: {  	_ = 	snop  }
0x8: {  	s2 =	sld [smem:$0x3FD0];
	_ =	sdelay $0x2  }
0x9: {  	s16 =	simm.s32 $0xA;
	s4 =	simm.s32 $0x10  }
0xa: {  	[smem:s4], [sflag:s16] =	dma.local [hbm:s2], $0x1  }
0xb: {  	_ =	swait.eq [sflag:s16], $0x1  }
0xc: {  	[sflag:s16] =	ssyncset.done $0x0  }
0xd: {  	[sflag:s16] =	ssyncadd.s32 $0xFFFFFFFF  }
0xe: {  	s17 =	sld [smem:$0x10];
	(tm) =	ssettm $0x1  }
0xf: {  	s18 =	sld [smem:$0x3FFB];
	_ =	sdelay $0x3  }
0x10: {  	_ =	strace s18  }
0x11: {  	s3 =	sld [smem:$0x3FFC];
	_ =	sdelay $0x3  }
0x12: {  	_ =	strace s3  }
0x13: {  	s3 =	sld [smem:$0x3FFD];
	_ =	sdelay $0x3  }
0x14: {  	_ =	strace s3  }
0x15: {  	_ =	strace $0x8FFFFFFF  }
0x16: {  	s19 =	sld [smem:$0x3FDB];
	_ =	sdelay $0x1  }
0x17: {  	s20 =	simm.s32 $_scs_section_size  }
0x18: {  	s5 =	simm.s32 $_size__tile_overlayer_lowered;
	s6 =	simm.s32 $_tile_overlayer_lowered  }
0x19: {  	s23 =	simm.s32 $0x1BFF;
	s22 =	sshll.u32 s6, $0x1;
	s3 =	sadd.s32 s20, s19  }
0x1a: {  	s7 =	simm.s32 $0x0;
	s21 =	sshll.u32 s5, $0x1;
	s5 =	sadd.s32 s22, s3  }
0x1b: {  	[timem:s7], [sflag:s23] =	dma.local [hbm:s5], s21  }
0x1c: {  	_ =	swait.ge [sflag:s23], s21  }
0x1d: {  	s4 =	ssub.s32 $0x0, s21;
	[sflag:s23] =	ssyncset.done $0x0  }
0x1e: {  	[sflag:s23] =	ssyncadd.s32 s4;
	_ =	sdelay $0x1  }
0x1f: {  	s24 =	simm.s32 $0x1B8B  }
0x20: {  	_ =	swait.ge [sflag:s24], $0x1  }
0x21: {  	[sflag:s24] =	ssyncset.done $0x0  }
0x22: {  	s26 =	simm.s32 $0x1B8E;
	s25 =	sld [smem:$0x3FFE];
	[sflag:s24] =	ssyncadd.s32 $0xFFFFFFFF  }
0x23: {  	s27 =	simm.s32 $execute0_lowered;
	[smem:$0x3FD2] =	sst s26  }
0x24: {  	s5 =	sshll.u32 s27, $0x1;
	_ =	strace $0x80000046;
	[dreg:$0x1] =	wrdreg $0xFFFFFFFF  }
0x25: {  	s28 =	simm.s32 $_size_execute0_lowered;
	s3 =	sadd.s32 s3, s5;
	[dreg:$0x0] =	wrdreg $0x0  }
0x26: {  	s5 =	sshll.u32 s28, $0x1;
	[dreg:$0x2] =	wrdreg s3  }
0x27: {  	[dreg:$0x3] =	wrdreg s5  }
0x28: {  	[dreg:$0x4] =	wrdreg $0xC0  }
0x29: {  	_ =	task [dreg:s7], $0x5FFFF  }
0x2a: {  	[dreg:$0x1] =	wrdreg $0xFFFFFFFF  }
0x2b: {  	[dreg:$0x0] =	wrdreg $0x60  }
0x2c: {  	[dreg:$0x2] =	wrdreg s25  }
0x2d: {  	[dreg:$0x3] =	wrdreg s17  }
0x2e: {  	[dreg:$0x4] =	wrdreg $0x9  }
0x2f: {  	_ =	task.clear_ibuf [dreg:s7], $0x5FFFF;
	_ =	strace $0x90000046  }
0x30: {  	s29 =	simm.s32 $0x9;
	_ =	strace $0x80000048  }
0x31: {  	_ =	swait.ge [sflag:s29], $0x1  }
0x32: {  	[sflag:s29] =	ssyncadd.s32 $0xFFFFFFFF  }
0x33: {  	_ =	strace $0x90000048  }
0x34: {  	_ =	sfence  }
0x35: {  	s30 =	sld [smem:$0x0];
	_ =	sdelay $0x2  }
0x36: {  	s31 =	sshll.u32 s1, $0xD;
	s1 =	sshrl.u32 s1, $0x2  }
0x37: {  	s3 =	sand.u32 $0x4000, s31;
	s1 =	sadd.s32 s1, s30  }
0x38: {  	s0 =	sor.u32 s3, s0;
	s1 =	sshll.u32 s1, $0x11  }
0x39: {  	s0 =	sor.u32 s1, s0  }
0x3a: {  	s0 =	sadd.s32 $0x8F2B, s0  }
0x3b: {  	[sflag:s0] =	ssyncadd.remote.s32 $0x1  }
0x3c: {  	_ =	sfence.sel $0xFFFF  }
0x3d: {  	[dreg:$0x0] =	wrdreg $0xFFFFFFFF;
	(pc) =	sbr.abs _section_cstart, $3  }
0x3e: {  	[dreg:$0x1] =	wrdreg $0xFFFFFFFF  }
0x3f: {  	_ =	task.clear_ibuf [dreg:s7], $0x2FFFF;
	_ =	strace $0x9FFFFFFF  }
0x40: {  	(tm) =	ssettm $0x7FFFFFFF  }
0x41: {  	_ =	shalt  }
tec
execute0_lowered:
.L_overlay_start_1:
0x0: {  	(tag) =	ssettag $0x1  }
0x1: {  	s0 =	srdreg.scid  }
0x2: {  	s1 =	sshll.u32 s0, $0x4  }
0x3: {  	s4 =	rddreg [dreg:$0x0];
	s0 =	stileid.u32;
	s1 =	sand.u32 $0x10, s1  }
0x4: {  	s2 =	rddreg [dreg:$0x1];
	s7 =	simm.s32 $0x1;
	s1 =	sor.u32 s0, s1  }
0x5: {  	s8 =	simm.s32 $0x2;
	s11 =	simm.s32 $0x0;
	s3 =	sshll.u32 s1, $0x7  }
0x6: {  	s10 =	simm.s32 $0x0;
	s4 =	sadd.s32 $0x400, s4;
	s6 =	ssub.s32 $0x80000, s3  }
.Ltmp0:
0x7: {  	s1 =	rddreg [dreg:$0x2];
	s5 =	sand.u32 $0xF80, s6;
	(pc) =	sbr.rel .LBB1_1-.Ltmp0, $4  }
0x8: {  	_ =	strace $0x80000047;
	s9 =	smov.u32 s3;
	p0 =	sne.s32 s5, $0x0  }
0x9: {  	s6 =	sshrl.u32 s6, $0xC;
	s5 =	simm.s32 $0x1;
	s7 =	simm.s32 @!p0 $0x0  }
0xa: {  	[sflag:s5] =	ssyncpa.u1 $0x0;
	p0 =	por $0x0, $0x0;
	s6 =	sadd.s32 s7, s6  }
0xb: {  	[sflag:s8] =	ssyncpa.u1 $0x0;
	s8 =	simm.s32 $0x400000;
	s7 =	sadd.s32 $0x1, s6  }
.LBB1_4:
0xc: {  	s14 =	sshll.u32 s11, $0x3  }
0xd: {  	s15 =	sand.u32 $0x78, s11;
	s14 =	sand.u32 $0x7FC00, s14  }
0xe: {  	[tilespmem:s13+$0x810 ss:$0x81] =	vst.msk $0xffff, v2;
	s29 =	sand.u32 $0x3F0000, s11;
	s30 =	sand.u32 $0x7, s11;
	s14 =	sor.u32 s15, s14  }
0xf: {  	[tilespmem:s13+$0x1020 ss:$0x81] =	vst.msk $0xffff, v0;
	s11 =	sshll.u32 s30, $0x12;
	s15 =	sadd.s32 s2, s29;
	s14 =	sshrl.u32 s14, $0x3  }
0x10: {  	[tilespmem:s13+$0x0 ss:$0x81] =	vst.msk $0xffff, v1;
	s11 =	sor.u32 $0x400, s11;
	s31 =	sadd.s32 s14, s15  }
0x11: {  	[hbm4b:s31+s11] =	stream.strided.scatter [tilespmem:s12], [sflag:$0x2], $0x2000, s8, s11, $0x20;
	[tilespmem:$0x8080] =	vst v63  }
.LBB1_5:
0x12: {  	s13 =	sadd.s32 $0x1000, s9  }
0x13: {  	p2 =	sgt.s32 s13, $0x7FFFF  }
0x14: {  	s13 =	smov.u32 @p2 s3;
	p2 =	sne.s32 s10, s7  }
.Ltmp1:
0x15: {  	p1 =	slt.u32 s10, $0x2;
	(pc) =	sbr.rel @!p2 .LBB1_6-.Ltmp1, $4  }
0x16: {  	s12 =	simm.s32 @!p1 $0x2  }
0x17: {  	s14 =	sadd.s32 $0x1, s10;
	_ =	swait.ge @!p1 [sflag:s12], $0x2000  }
0x18: {  	s11 =	smov.u32 s9;
	p0 =	por !p0, !p0;
	[sflag:s12] =	ssyncset.done @!p1 $0x0  }
0x19: {  	s10 =	smov.u32 s14;
	s9 =	smov.u32 s13;
	[sflag:s12] =	ssyncadd.s32 @!p1 $0xFFFFE000  }
.LBB1_1:
0x1a: {  	p1 =	sge.u32 s10, s6  }
0x1b: {  	s31 =	sadd.s32 $0xFFFFFFFF, s10;
	s12 =	sxor.u32 @!p1 $0xFFFFFFFF, s10;
	s13 =	sshll.u32 @!p1 s9, $0x4  }
0x1c: {  	s14 =	simm.s32 @!p1 $0x40;
	s12 =	sshll.u32 @!p1 s12, $0xD;
	s13 =	sand.u32 @!p1 $0x7FFFF0, s13  }
0x1d: {  	s15 =	simm.s32 @!p1 $0x80;
	s12 =	sand.u32 @!p1 $0x2000, s12;
	s13 =	sadd.s32 @!p1 s4, s13  }
0x1e: {  	[tilespmem:s12], [sflag:$0x1] =	stream.strided.gather @!p1 [hbm4b:s13+s14], $0x2000, s15, s14, $0x38;
	[tilespmem:$0x8080] =	vst v63  }
0x1f: {  	p1 =	sge.u32 s31, s6  }
.Ltmp2:
0x20: {  	_ = 	snop;
	(pc) =	sbr.rel @p1 .LBB1_5-.Ltmp2, $1  }
0x21: {  	_ =	sdelay $0x3  }
0x22: {  	s12 =	simm.s32 $0x1  }
0x23: {  	_ =	swait.ge [sflag:s5], $0x2000;
	s12 =	simm.s32 @!p0 $0x0  }
0x24: {  	[sflag:s5] =	ssyncset.done $0x0;
	s13 =	sshll.u32 s12, $0xD  }
0x25: {  	[sflag:s5] =	ssyncadd.s32 $0xFFFFE000;
	s16 =	sor.u32 $0x20, s13  }
0x26: {  	s12 =	smul.u32 $0x8100, s12;
	v3 =	vld [tilespmem:s16+$0x10]  }
0x27: {  	s30 =	sand.u32 $0x1, s10;
	v2 =	vld [tilespmem:s16+$0xFFFFFFF0]  }
0x28: {  	s13 =	smul.u32 $0x8100, s30;
	s12 =	sshrl.u32 s12, $0x2;
	v0 =	vld [tilespmem:s16+$0x0]  }
0x29: {  	v1 =	vld [tilespmem:s16+$0xFFFFFFE0];
	s14 =	sor.u32 $0x4000, s12  }
0x2a: {  	s31 =	sshrl.u32 s13, $0x2;
	s13 =	sadd.s32 $0x0, s14  }
0x2b: {  	s15 =	simm.s32 $0x4;
	s16 =	sadd.s32 $0x40, s16;
	s12 =	sor.u32 $0x4000, s31;
	[tilespmem:s13+$0x1830 ss:$0x81] =	vst.msk $0xffff, v3  }
.LBB1_3:
0x2c: {  	v3 =	vld [tilespmem:s16+$0x10];
	p1 =	sne.s32 s15, $0x1FC;
	[tilespmem:s13+$0x810 ss:$0x81] =	vst.msk $0xffff, v2;
	s17 =	smov.u32 s15;
	s15 =	sadd.s32 $0x4, s15  }
.Ltmp3:
0x2d: {  	v2 =	vld [tilespmem:s16+$0xFFFFFFF0];
	[tilespmem:s13+$0x1020 ss:$0x81] =	vst.msk $0xffff, v0;
	(pc) =	sbr.rel @p1 .LBB1_3-.Ltmp3, $4  }
0x2e: {  	v0 =	vld [tilespmem:s16+$0x0];
	[tilespmem:s13+$0x0 ss:$0x81] =	vst.msk $0xffff, v1  }
0x2f: {  	s13 =	sshra.s32 s17, $0x2;
	v1 =	vld [tilespmem:s16+$0xFFFFFFE0]  }
0x30: {  	s13 =	sadd.s32 s13, s14  }
0x31: {  	s16 =	sadd.s32 $0x40, s16;
	[tilespmem:s13+$0x1830 ss:$0x81] =	vst.msk $0xffff, v3  }
.Ltmp4:
0x32: {  	_ = 	snop;
	(pc) =	sbr.rel .LBB1_4-.Ltmp4, $1  }
0x33: {  	_ =	sdelay $0x3  }
.LBB1_6:
0x34: {  	_ =	sfence.sel $0x180000  }
0x35: {  	s2 =	simm.s32 $0x1;
	[bflag:$0x0] =	sbarrier.arrive $0xFFFF  }
0x36: {  	s31 =	simm.s32 $0x2;
	[sflag:s2] =	ssyncpa.u1 $0x1  }
0x37: {  	[sflag:s31] =	ssyncpa.u1 $0x1  }
0x38: {  	p0 =	sne.s32 s0, $0x0;
	_ =	strace $0x90000047  }
0x39: {  	s0 =	sadd.s32 @!p0 $0x100000, s1;
	[bflag:$0x2] =	sbarrier.arrive $0xFFFF  }
0x3a: {  	[sflag:s0] =	ssyncadd.tile.s32 @!p0 $0x1;
	_ =	shalt  }
.Lfunc_end1:
_tile_overlayer_lowered:
.L_overlay_start_2:
0x3b: {  	(tag) =	ssettag $0x2  }
0x3c: {  	s0 =	rddreg [dreg:$0x0];
	s2 =	stileid.u32  }
0x3d: {  	s1 =	rddreg [dreg:$0x1];
	p0 =	sne.s32 s2, $0x0  }
0x3e: {  	s3 =	rddreg [dreg:$0x2];
	[bflag:$0x3] =	sbarrier.arrive $0xFFFF;
	s2 =	simm.s32 @!p0 $0x1C01  }
0x3f: {  	[timem:s3], [sflag:s2] =	dma.local @!p0 [hbm:s0], s1  }
0x40: {  	s0 =	simm.s32 @!p0 $0x1  }
0x41: {  	_ =	swait.ge @!p0 [sflag:s0], s1  }
0x42: {  	s1 =	ssub.s32 @!p0 $0x0, s1;
	[sflag:s0] =	ssyncset.done @!p0 $0x0  }
0x43: {  	[sflag:s0] =	ssyncadd.s32 @!p0 s1  }
0x44: {  	[bflag:$0x3] =	sbarrier.arrive $0xFFFF  }
0x45: {  	_ =	shalt  }

</sc_bundles>
